<compile_context>
chip_gen: v7x
topology: tpu7x:2x2x1
jax: 0.10.2.dev20260603
libtpu: 0.0.44.dev20260713+nightly
codegen_flags: <defaults>
</compile_context>

<pallas_src>
import functools

import jax
import jax.numpy as jnp
from jax import lax
from jax.experimental import pallas as pl
from jax.experimental.pallas import tpu as pltpu
from jax.experimental.pallas import tpu_sc as plsc

B = 16
N_SENT = 32
S = 2048
L_OUT = 2048
D = 768
LANES = 16
NC = 2
NS = 16
CH = 128
SEL_W = 16




def _sel_body(se_hbm, att_hbm, sel_hbm, att_v, se_v, pref_v, vec_v):
    cid = lax.axis_index("c")
    sid = lax.axis_index("s")
    wid = cid * NS + sid

    @pl.when(wid < B)
    def _():
        b = wid
        pltpu.sync_copy(att_hbm.at[b], att_v)
        pltpu.sync_copy(se_hbm.at[b], se_v)

        def pref_step(i, carry):
            v = att_v[pl.ds(i * LANES, LANES)]
            incl = plsc.cumsum(v)
            pref_v[pl.ds(i * LANES, LANES)] = (incl - v) + carry
            return carry + jnp.sum(v)

        lax.fori_loop(0, S // LANES, pref_step, jnp.float32(0.0))

        lanes = jnp.arange(LANES, dtype=jnp.int32)

        def half_stats(hn):
            s_idx = 2 * lanes + (2 * LANES) * hn
            starts = plsc.load_gather(se_v, [s_idx])
            ends = plsc.load_gather(se_v, [s_idx + 1])
            sums = (plsc.load_gather(pref_v, [ends])
                    - plsc.load_gather(pref_v, [starts]))
            m = jnp.max(sums)
            first = jnp.min(plsc.all_reduce_ffs(sums == m))
            return m, first

        m0, f0 = half_stats(0)
        m1, f1 = half_stats(1)
        best = jnp.where(m0 >= m1, f0, LANES + f1).astype(jnp.int32)
        best_sum = jnp.maximum(m0, m1)

        sv = plsc.load_gather(se_v, [jnp.full((LANES,), 2 * best, jnp.int32)])
        ev = plsc.load_gather(
            se_v, [jnp.full((LANES,), 2 * best + 1, jnp.int32)])
        sel = best_sum > 0.0
        start = jnp.where(sel, jnp.max(sv), 0)
        end = jnp.where(sel, jnp.max(ev), 0)
        ln = end - start

        lanes_rec = jnp.arange(LANES, dtype=jnp.int32)
        rec = jnp.where(lanes_rec == 0, jnp.full((LANES,), start, jnp.int32),
                        jnp.where(lanes_rec == 1,
                                  jnp.full((LANES,), ln, jnp.int32), 0))
        vec_v[...] = rec
        pltpu.sync_copy(vec_v, sel_hbm.at[b])


_sel_kernel = functools.partial(
    pl.kernel,
    out_type=jax.ShapeDtypeStruct((B, SEL_W), jnp.int32),
    mesh=plsc.VectorSubcoreMesh(
        core_axis_name="c", subcore_axis_name="s", num_cores=NC,
        num_subcores=NS),
    scratch_types=[
        pltpu.VMEM((S,), jnp.float32),
        pltpu.VMEM((2 * N_SENT,), jnp.int32),
        pltpu.VMEM((S,), jnp.float32),
        pltpu.VMEM((LANES,), jnp.int32),
    ],
    compiler_params=pltpu.CompilerParams(
        use_tc_tiling_on_sc=False, needs_layout_passes=False),
)(_sel_body)



BLK = 512
NB = S // BLK


def _shift_body(sel_ref, a_ref, o_ref, prev_ref):
    b = pl.program_id(0)
    j = pl.program_id(1)

    @pl.when(j > 0)
    def _():
        start = sel_ref[b, 0]
        ln = sel_ref[b, 1]
        rem = lax.rem(start, BLK)
        jj = j - 1
        nv = jnp.clip(ln - jj * BLK, 0, BLK)

        low = prev_ref[...]
        high = a_ref[0]
        rows = lax.broadcasted_iota(jnp.int32, (BLK, 1), 0)
        pre_r = rows - rem + jnp.where(rows < rem, BLK, 0)
        mixed = jnp.where(rows < rem, high, low)
        masked = jnp.where(pre_r < nv, mixed, 0.0)
        o_ref[0] = pltpu.roll(masked, lax.rem(BLK - rem, BLK), 0)

    prev_ref[...] = a_ref[0]


def _amap(b, j, sel_ref):
    start = sel_ref[b, 0]
    ln = sel_ref[b, 1]
    q = start // BLK
    rem = lax.rem(start, BLK)
    jlast = jnp.maximum((rem + ln - 1) // BLK, 0)
    a = jnp.minimum(q + jnp.minimum(j, jlast), NB - 1)
    return (b, a, 0)


def _omap(b, j, sel_ref):
    return (b, jnp.maximum(j - 1, 0), 0)


def _copy_kernel(sel, ctx):
    return pl.pallas_call(
        _shift_body,
        grid_spec=pltpu.PrefetchScalarGridSpec(
            num_scalar_prefetch=1,
            grid=(B, NB + 1),
            in_specs=[pl.BlockSpec((1, BLK, D), _amap)],
            out_specs=pl.BlockSpec((1, BLK, D), _omap),
            scratch_shapes=[pltpu.VMEM((BLK, D), jnp.float32)],
        ),
        out_shape=jax.ShapeDtypeStruct((B, L_OUT, D), jnp.float32),
    )(sel, ctx)


def kernel(startends, attention, context):
    se_flat = startends.reshape(B, 2 * N_SENT)
    sel = _sel_kernel(se_flat, attention)
    return _copy_kernel(sel, context)

# --- scband reference (transcript-rebuilt; emitter-appended) ---
"""Pipeline reference for scband-max-att-sentence-16063177687231 (READ-ONLY COPY).

The authoritative reference and input builder live on the scoring server;
editing this copy changes nothing except your own understanding.
"""

import jax, jax.numpy as jnp
import numpy as np

BATCH = 16
N_SENT = 32
SEQ_LEN = 2048
MAX_SENTENCE_LEN = 2048
EMB_DIM = 768


def setup_inputs(seed: int = 0) -> dict:
    key = jax.random.key(seed)
    k1, k2, k3 = jax.random.split(key, 3)
    # sorted along last axis so start <= end for every (start, end) pair
    startends = jnp.sort(
        jax.random.randint(k1, (BATCH, N_SENT, 2), 0, SEQ_LEN, dtype=jnp.int32),
        axis=-1,
    )
    attention = jax.random.uniform(k2, (BATCH, SEQ_LEN), dtype=jnp.float32)
    context = jax.random.normal(k3, (BATCH, SEQ_LEN, EMB_DIM), dtype=jnp.float32)
    return {"startends": startends, "attention": attention, "context": context}


def reference(startends, attention, context):
    # For each batch element, find the sentence span [start, end) with the
    # maximal summed attention (strictly > 0, first-occurrence tie-break,
    # default span (0, 0)), then copy that span of context into a
    # zero-padded [MAX_SENTENCE_LEN, EMB_DIM] slot.
    B, S = attention.shape
    starts = startends[..., 0]  # [B, N]
    ends = startends[..., 1]    # [B, N]
    pos = jnp.arange(S)
    mask = (pos[None, None, :] >= starts[:, :, None]) & (
        pos[None, None, :] < ends[:, :, None]
    )  # [B, N, S]
    sums = jnp.sum(jnp.where(mask, attention[:, None, :], 0.0), axis=-1)  # [B, N]
    max_sum = jnp.max(sums, axis=-1)           # [B]
    best = jnp.argmax(sums, axis=-1)           # first max, matches strict-> loop
    best_start = jnp.take_along_axis(starts, best[:, None], axis=1)[:, 0]
    best_end = jnp.take_along_axis(ends, best[:, None], axis=1)[:, 0]
    sel = max_sum > 0                          # torch init max_sum_att = 0, strict >
    best_start = jnp.where(sel, best_start, 0)
    best_end = jnp.where(sel, best_end, 0)
    idx = best_start[:, None] + jnp.arange(MAX_SENTENCE_LEN)[None, :]  # [B, L]
    valid = idx < best_end[:, None]
    idx_c = jnp.clip(idx, 0, S - 1)
    gathered = jnp.take_along_axis(context, idx_c[:, :, None], axis=1)  # [B, L, D]
    out = jnp.where(valid[:, :, None], gathered, 0.0)
    return out

if __name__ == "__main__":
    import jax
    _d = setup_inputs()
    print(jax.jit(kernel)(*tuple(_d.values())))

</pallas_src>

<mosaic_0001>
#map = affine_map<(d0, d1) -> (0, 0)>
module attributes {stable_mosaic.version = 14 : i64} {
  func.func @_sel_body(%arg0: i32, %arg1: i32, %arg2: memref<16x64xi32, #tpu.memory_space<hbm>>, %arg3: memref<16x2048xf32, #tpu.memory_space<hbm>>, %arg4: memref<16x16xi32, #tpu.memory_space<hbm>>, %arg5: memref<2048xf32, #tpu.memory_space<vmem>>, %arg6: memref<64xi32, #tpu.memory_space<vmem>>, %arg7: memref<2048xf32, #tpu.memory_space<vmem>>, %arg8: memref<16xi32, #tpu.memory_space<vmem>>) attributes {dimension_semantics = [#tpu.dimension_semantics<core_parallel>, #tpu.dimension_semantics<subcore_parallel>], iteration_bounds = array<i64: 2, 16>, scalar_prefetch = 0 : i64, scratch_operands = 4 : i64, tpu.core_type = #tpu.core_type<sc_vector_subcore>, window_params = [{transform_indices = #map}, {transform_indices = #map}, {transform_indices = #map}]} {
    %mul3A = arith.constant 16 : i32
    %mul3A_0 = arith.muli %arg0, %mul3A : i32
    %add3A = arith.addi %mul3A_0, %arg1 : i32
    %lt3A = arith.constant 16 : i32
    %lt3A_1 = arith.cmpi slt, %add3A, %lt3A : i32
    %convert_element_type3A = arith.extui %lt3A_1 : i1 to i32
    %cond3A = arith.constant 0 : i32
    %cond3A_2 = arith.cmpi ne, %convert_element_type3A, %cond3A : i32
    scf.if %cond3A_2 {
      "tpu.region"() ({
        %run_scoped3A = tpu.sem_alloc : memref<!tpu.dma_semaphore, #tpu.memory_space<semaphore_mem>>
        %dma_start3A = arith.constant 0 : i32
        %dma_start3A_107 = tpu.memref_slice %arg3[%add3A, %dma_start3A] : memref<16x2048xf32, #tpu.memory_space<hbm>> -> memref<1x2048xf32, #tpu.memory_space<hbm>>
        %dma_start3A_108 = tpu.memref_squeeze %dma_start3A_107 : memref<1x2048xf32, #tpu.memory_space<hbm>> -> memref<2048xf32, #tpu.memory_space<hbm>>
        %dma_start3A_109 = arith.constant 0 : i32
        %dma_start3A_110 = tpu.memref_slice %arg3[%add3A, %dma_start3A_109] : memref<16x2048xf32, #tpu.memory_space<hbm>> -> memref<1x2048xf32, #tpu.memory_space<hbm>>
        %dma_start3A_111 = tpu.memref_squeeze %dma_start3A_110 : memref<1x2048xf32, #tpu.memory_space<hbm>> -> memref<2048xf32, #tpu.memory_space<hbm>>
        tpu.enqueue_dma source(%dma_start3A_111 : memref<2048xf32, #tpu.memory_space<hbm>>) target(%arg5 : memref<2048xf32, #tpu.memory_space<vmem>>) target_semaphore(%run_scoped3A : memref<!tpu.dma_semaphore, #tpu.memory_space<semaphore_mem>>)
        %dma_wait3A = arith.constant 0 : i32
        %dma_wait3A_112 = tpu.memref_slice %arg3[%add3A, %dma_wait3A] : memref<16x2048xf32, #tpu.memory_space<hbm>> -> memref<1x2048xf32, #tpu.memory_space<hbm>>
        %dma_wait3A_113 = tpu.memref_squeeze %dma_wait3A_112 : memref<1x2048xf32, #tpu.memory_space<hbm>> -> memref<2048xf32, #tpu.memory_space<hbm>>
        %dma_wait3A_114 = arith.constant 0 : i32
        %dma_wait3A_115 = tpu.memref_slice %arg3[%add3A, %dma_wait3A_114] : memref<16x2048xf32, #tpu.memory_space<hbm>> -> memref<1x2048xf32, #tpu.memory_space<hbm>>
        %dma_wait3A_116 = tpu.memref_squeeze %dma_wait3A_115 : memref<1x2048xf32, #tpu.memory_space<hbm>> -> memref<2048xf32, #tpu.memory_space<hbm>>
        tpu.wait_dma2 semaphore(%run_scoped3A : memref<!tpu.dma_semaphore, #tpu.memory_space<semaphore_mem>>) src(%dma_wait3A_116 : memref<2048xf32, #tpu.memory_space<hbm>>) dst(%arg5 : memref<2048xf32, #tpu.memory_space<vmem>>)
        tpu.yield
      }) : () -> ()
      "tpu.region"() ({
        %run_scoped3A = tpu.sem_alloc : memref<!tpu.dma_semaphore, #tpu.memory_space<semaphore_mem>>
        %dma_start3A = arith.constant 0 : i32
        %dma_start3A_107 = tpu.memref_slice %arg2[%add3A, %dma_start3A] : memref<16x64xi32, #tpu.memory_space<hbm>> -> memref<1x64xi32, #tpu.memory_space<hbm>>
        %dma_start3A_108 = tpu.memref_squeeze %dma_start3A_107 : memref<1x64xi32, #tpu.memory_space<hbm>> -> memref<64xi32, #tpu.memory_space<hbm>>
        %dma_start3A_109 = arith.constant 0 : i32
        %dma_start3A_110 = tpu.memref_slice %arg2[%add3A, %dma_start3A_109] : memref<16x64xi32, #tpu.memory_space<hbm>> -> memref<1x64xi32, #tpu.memory_space<hbm>>
        %dma_start3A_111 = tpu.memref_squeeze %dma_start3A_110 : memref<1x64xi32, #tpu.memory_space<hbm>> -> memref<64xi32, #tpu.memory_space<hbm>>
        tpu.enqueue_dma source(%dma_start3A_111 : memref<64xi32, #tpu.memory_space<hbm>>) target(%arg6 : memref<64xi32, #tpu.memory_space<vmem>>) target_semaphore(%run_scoped3A : memref<!tpu.dma_semaphore, #tpu.memory_space<semaphore_mem>>)
        %dma_wait3A = arith.constant 0 : i32
        %dma_wait3A_112 = tpu.memref_slice %arg2[%add3A, %dma_wait3A] : memref<16x64xi32, #tpu.memory_space<hbm>> -> memref<1x64xi32, #tpu.memory_space<hbm>>
        %dma_wait3A_113 = tpu.memref_squeeze %dma_wait3A_112 : memref<1x64xi32, #tpu.memory_space<hbm>> -> memref<64xi32, #tpu.memory_space<hbm>>
        %dma_wait3A_114 = arith.constant 0 : i32
        %dma_wait3A_115 = tpu.memref_slice %arg2[%add3A, %dma_wait3A_114] : memref<16x64xi32, #tpu.memory_space<hbm>> -> memref<1x64xi32, #tpu.memory_space<hbm>>
        %dma_wait3A_116 = tpu.memref_squeeze %dma_wait3A_115 : memref<1x64xi32, #tpu.memory_space<hbm>> -> memref<64xi32, #tpu.memory_space<hbm>>
        tpu.wait_dma2 semaphore(%run_scoped3A : memref<!tpu.dma_semaphore, #tpu.memory_space<semaphore_mem>>) src(%dma_wait3A_116 : memref<64xi32, #tpu.memory_space<hbm>>) dst(%arg6 : memref<64xi32, #tpu.memory_space<vmem>>)
        tpu.yield
      }) : () -> ()
      %scan3A = arith.constant 0.000000e+00 : f32
      %scan3A_3 = arith.constant 0 : i32
      %scan3A_4 = arith.constant 128 : i32
      %scan3A_5 = arith.addi %scan3A_3, %scan3A_4 : i32
      %scan3A_6 = arith.constant 1 : i32
      %scan3A_7 = scf.for %scan3A_107 = %scan3A_3 to %scan3A_5 step %scan3A_6 iter_args(%scan3A_108 = %scan3A) -> (f32)  : i32 {
        %mul3A_109 = arith.constant 16 : i32
        %mul3A_110 = arith.muli %scan3A_107, %mul3A_109 : i32
        %get3A = arith.index_cast %mul3A_110 : i32 to index
        %get3A_111 = tpu.vector_load %arg5[%get3A] {strides = array<i32>} : memref<2048xf32, #tpu.memory_space<vmem>>, vector<16xf32>,
        %broadcast_in_dim3A_112 = arith.constant true
        %broadcast_in_dim3A_113 = vector.broadcast %broadcast_in_dim3A_112 : i1 to vector<16xi1>
        %masked_cumsum3A = tpu.scan <sum>, %get3A_111 masked %broadcast_in_dim3A_113 : vector<16xf32>, vector<16xi1> -> vector<16xf32>
        %sub3A_114 = arith.subf %masked_cumsum3A, %get3A_111 : vector<16xf32>
        %add3A_115 = vector.broadcast %scan3A_108 : f32 to vector<16xf32>
        %add3A_116 = arith.addf %sub3A_114, %add3A_115 : vector<16xf32>
        %mul3A_117 = arith.constant 16 : i32
        %mul3A_118 = arith.muli %scan3A_107, %mul3A_117 : i32
        %swap3A_119 = arith.index_cast %mul3A_118 : i32 to index
        %swap3A_120 = tpu.vector_load %arg7[%swap3A_119] {strides = array<i32>} : memref<2048xf32, #tpu.memory_space<vmem>>, vector<16xf32>,
        tpu.vector_store %arg7[%swap3A_119], %add3A_116 {strides = array<i32>} : memref<2048xf32, #tpu.memory_space<vmem>>, vector<16xf32>,
        %reduce_sum3A = arith.constant true
        %reduce_sum3A_121 = vector.broadcast %reduce_sum3A : i1 to vector<16xi1>
        %reduce_sum3A_122 = tpu.scan <sum>, %get3A_111 masked %reduce_sum3A_121 : vector<16xf32>, vector<16xi1> -> vector<16xf32>
        %reduce_sum3A_123 = vector.extract %reduce_sum3A_122[15] : f32 from vector<16xf32>
        %add3A_124 = arith.addf %scan3A_108, %reduce_sum3A_123 : f32
        scf.yield %add3A_124 : f32
      }
      %scan3A_8 = arith.constant 128 : i32
      %iota3A = tpu.iota {dimensions = array<i32: 0>} : vector<16xi32>
      %mul3A_9 = arith.constant 2 : i32
      %mul3A_10 = vector.broadcast %mul3A_9 : i32 to vector<16xi32>
      %mul3A_11 = arith.muli %mul3A_10, %iota3A : vector<16xi32>
      %add3A_12 = arith.constant 0 : i32
      %add3A_13 = vector.broadcast %add3A_12 : i32 to vector<16xi32>
      %add3A_14 = arith.addi %mul3A_11, %add3A_13 : vector<16xi32>
      %gather3A = tpu.vector_load_idx %arg6[%add3A_14] : memref<64xi32, #tpu.memory_space<vmem>>[vector<16xi32>], vector<16xi32>,
      %add3A_15 = arith.constant 1 : i32
      %add3A_16 = vector.broadcast %add3A_15 : i32 to vector<16xi32>
      %add3A_17 = arith.addi %add3A_14, %add3A_16 : vector<16xi32>
      %gather3A_18 = tpu.vector_load_idx %arg6[%add3A_17] : memref<64xi32, #tpu.memory_space<vmem>>[vector<16xi32>], vector<16xi32>,
      %gather3A_19 = tpu.vector_load_idx %arg7[%gather3A_18] : memref<2048xf32, #tpu.memory_space<vmem>>[vector<16xi32>], vector<16xf32>,
      %gather3A_20 = tpu.vector_load_idx %arg7[%gather3A] : memref<2048xf32, #tpu.memory_space<vmem>>[vector<16xi32>], vector<16xf32>,
      %sub3A = arith.subf %gather3A_19, %gather3A_20 : vector<16xf32>
      %reduce_max3A = arith.constant true
      %reduce_max3A_21 = vector.broadcast %reduce_max3A : i1 to vector<16xi1>
      %reduce_max3A_22 = tpu.scan <max>, %sub3A masked %reduce_max3A_21 : vector<16xf32>, vector<16xi1> -> vector<16xf32>
      %reduce_max3A_23 = vector.extract %reduce_max3A_22[15] : f32 from vector<16xf32>
      %eq3A = vector.broadcast %reduce_max3A_23 : f32 to vector<16xf32>
      %eq3A_24 = arith.cmpf oeq, %sub3A, %eq3A : vector<16xf32>
      %all_reduce_ffs3A = tpu.all_reduce %eq3A_24 {dim = 0 : i64, kind = #tpu.reduction_kind<find_first_set>} : vector<16xi1> -> vector<16xi32>
      %reduce_min3A = arith.constant true
      %reduce_min3A_25 = vector.broadcast %reduce_min3A : i1 to vector<16xi1>
      %reduce_min3A_26 = arith.constant -2147483648 : i32
      %reduce_min3A_27 = vector.broadcast %reduce_min3A_26 : i32 to vector<16xi32>
      %reduce_min3A_28 = arith.xori %all_reduce_ffs3A, %reduce_min3A_27 : vector<16xi32>
      %reduce_min3A_29 = tpu.scan <min>, %reduce_min3A_28 masked %reduce_min3A_25 : vector<16xi32>, vector<16xi1> -> vector<16xi32>
      %reduce_min3A_30 = arith.xori %reduce_min3A_29, %reduce_min3A_27 : vector<16xi32>
      %reduce_min3A_31 = vector.extract %reduce_min3A_30[15] : i32 from vector<16xi32>
      %mul3A_32 = arith.constant 2 : i32
      %mul3A_33 = vector.broadcast %mul3A_32 : i32 to vector<16xi32>
      %mul3A_34 = arith.muli %mul3A_33, %iota3A : vector<16xi32>
      %add3A_35 = arith.constant 32 : i32
      %add3A_36 = vector.broadcast %add3A_35 : i32 to vector<16xi32>
      %add3A_37 = arith.addi %mul3A_34, %add3A_36 : vector<16xi32>
      %gather3A_38 = tpu.vector_load_idx %arg6[%add3A_37] : memref<64xi32, #tpu.memory_space<vmem>>[vector<16xi32>], vector<16xi32>,
      %add3A_39 = arith.constant 1 : i32
      %add3A_40 = vector.broadcast %add3A_39 : i32 to vector<16xi32>
      %add3A_41 = arith.addi %add3A_37, %add3A_40 : vector<16xi32>
      %gather3A_42 = tpu.vector_load_idx %arg6[%add3A_41] : memref<64xi32, #tpu.memory_space<vmem>>[vector<16xi32>], vector<16xi32>,
      %gather3A_43 = tpu.vector_load_idx %arg7[%gather3A_42] : memref<2048xf32, #tpu.memory_space<vmem>>[vector<16xi32>], vector<16xf32>,
      %gather3A_44 = tpu.vector_load_idx %arg7[%gather3A_38] : memref<2048xf32, #tpu.memory_space<vmem>>[vector<16xi32>], vector<16xf32>,
      %sub3A_45 = arith.subf %gather3A_43, %gather3A_44 : vector<16xf32>
      %reduce_max3A_46 = arith.constant true
      %reduce_max3A_47 = vector.broadcast %reduce_max3A_46 : i1 to vector<16xi1>
      %reduce_max3A_48 = tpu.scan <max>, %sub3A_45 masked %reduce_max3A_47 : vector<16xf32>, vector<16xi1> -> vector<16xf32>
      %reduce_max3A_49 = vector.extract %reduce_max3A_48[15] : f32 from vector<16xf32>
      %eq3A_50 = vector.broadcast %reduce_max3A_49 : f32 to vector<16xf32>
      %eq3A_51 = arith.cmpf oeq, %sub3A_45, %eq3A_50 : vector<16xf32>
      %all_reduce_ffs3A_52 = tpu.all_reduce %eq3A_51 {dim = 0 : i64, kind = #tpu.reduction_kind<find_first_set>} : vector<16xi1> -> vector<16xi32>
      %reduce_min3A_53 = arith.constant true
      %reduce_min3A_54 = vector.broadcast %reduce_min3A_53 : i1 to vector<16xi1>
      %reduce_min3A_55 = arith.constant -2147483648 : i32
      %reduce_min3A_56 = vector.broadcast %reduce_min3A_55 : i32 to vector<16xi32>
      %reduce_min3A_57 = arith.xori %all_reduce_ffs3A_52, %reduce_min3A_56 : vector<16xi32>
      %reduce_min3A_58 = tpu.scan <min>, %reduce_min3A_57 masked %reduce_min3A_54 : vector<16xi32>, vector<16xi1> -> vector<16xi32>
      %reduce_min3A_59 = arith.xori %reduce_min3A_58, %reduce_min3A_56 : vector<16xi32>
      %reduce_min3A_60 = vector.extract %reduce_min3A_59[15] : i32 from vector<16xi32>
      %ge3A = arith.cmpf oge, %reduce_max3A_23, %reduce_max3A_49 : f32
      %add3A_61 = arith.constant 16 : i32
      %add3A_62 = arith.addi %add3A_61, %reduce_min3A_60 : i32
      %select_n3A = arith.select %ge3A, %reduce_min3A_31, %add3A_62 : i32
      %max3A = arith.maximumf %reduce_max3A_23, %reduce_max3A_49 : f32
      %mul3A_63 = arith.constant 2 : i32
      %mul3A_64 = arith.muli %mul3A_63, %select_n3A : i32
      %broadcast_in_dim3A = vector.broadcast %mul3A_64 : i32 to vector<16xi32>
      %gather3A_65 = tpu.vector_load_idx %arg6[%broadcast_in_dim3A] : memref<64xi32, #tpu.memory_space<vmem>>[vector<16xi32>], vector<16xi32>,
      %mul3A_66 = arith.constant 2 : i32
      %mul3A_67 = arith.muli %mul3A_66, %select_n3A : i32
      %add3A_68 = arith.constant 1 : i32
      %add3A_69 = arith.addi %mul3A_67, %add3A_68 : i32
      %broadcast_in_dim3A_70 = vector.broadcast %add3A_69 : i32 to vector<16xi32>
      %gather3A_71 = tpu.vector_load_idx %arg6[%broadcast_in_dim3A_70] : memref<64xi32, #tpu.memory_space<vmem>>[vector<16xi32>], vector<16xi32>,
      %gt3A = arith.constant 0.000000e+00 : f32
      %gt3A_72 = arith.cmpf ogt, %max3A, %gt3A : f32
      %reduce_max3A_73 = arith.constant true
      %reduce_max3A_74 = vector.broadcast %reduce_max3A_73 : i1 to vector<16xi1>
      %reduce_max3A_75 = arith.constant -2147483648 : i32
      %reduce_max3A_76 = vector.broadcast %reduce_max3A_75 : i32 to vector<16xi32>
      %reduce_max3A_77 = arith.xori %gather3A_65, %reduce_max3A_76 : vector<16xi32>
      %reduce_max3A_78 = tpu.scan <max>, %reduce_max3A_77 masked %reduce_max3A_74 : vector<16xi32>, vector<16xi1> -> vector<16xi32>
      %reduce_max3A_79 = arith.xori %reduce_max3A_78, %reduce_max3A_76 : vector<16xi32>
      %reduce_max3A_80 = vector.extract %reduce_max3A_79[15] : i32 from vector<16xi32>
      %jit3A = arith.constant 0 : i32
      %select_n3A_81 = arith.select %gt3A_72, %reduce_max3A_80, %jit3A : i32
      %reduce_max3A_82 = arith.constant true
      %reduce_max3A_83 = vector.broadcast %reduce_max3A_82 : i1 to vector<16xi1>
      %reduce_max3A_84 = arith.constant -2147483648 : i32
      %reduce_max3A_85 = vector.broadcast %reduce_max3A_84 : i32 to vector<16xi32>
      %reduce_max3A_86 = arith.xori %gather3A_71, %reduce_max3A_85 : vector<16xi32>
      %reduce_max3A_87 = tpu.scan <max>, %reduce_max3A_86 masked %reduce_max3A_83 : vector<16xi32>, vector<16xi1> -> vector<16xi32>
      %reduce_max3A_88 = arith.xori %reduce_max3A_87, %reduce_max3A_85 : vector<16xi32>
      %reduce_max3A_89 = vector.extract %reduce_max3A_88[15] : i32 from vector<16xi32>
      %jit3A_90 = arith.constant 0 : i32
      %select_n3A_91 = arith.select %gt3A_72, %reduce_max3A_89, %jit3A_90 : i32
      %sub3A_92 = arith.subi %select_n3A_91, %select_n3A_81 : i32
      %iota3A_93 = tpu.iota {dimensions = array<i32: 0>} : vector<16xi32>
      %eq3A_94 = arith.constant 0 : i32
      %eq3A_95 = vector.broadcast %eq3A_94 : i32 to vector<16xi32>
      %eq3A_96 = arith.cmpi eq, %iota3A_93, %eq3A_95 : vector<16xi32>
      %broadcast_in_dim3A_97 = vector.broadcast %select_n3A_81 : i32 to vector<16xi32>
      %eq3A_98 = arith.constant 1 : i32
      %eq3A_99 = vector.broadcast %eq3A_98 : i32 to vector<16xi32>
      %eq3A_100 = arith.cmpi eq, %iota3A_93, %eq3A_99 : vector<16xi32>
      %broadcast_in_dim3A_101 = vector.broadcast %sub3A_92 : i32 to vector<16xi32>
      %jit3A_102 = arith.constant 0 : i32
      %broadcast_in_dim3A_103 = vector.broadcast %jit3A_102 : i32 to vector<16xi32>
      %select_n3A_104 = arith.select %eq3A_100, %broadcast_in_dim3A_101, %broadcast_in_dim3A_103 : vector<16xi1>, vector<16xi32>
      %select_n3A_105 = arith.select %eq3A_96, %broadcast_in_dim3A_97, %select_n3A_104 : vector<16xi1>, vector<16xi32>
      %swap3A = arith.constant 0 : index
      %swap3A_106 = tpu.vector_load %arg8[%swap3A] {strides = array<i32>} : memref<16xi32, #tpu.memory_space<vmem>>, vector<16xi32>,
      tpu.vector_store %arg8[%swap3A], %select_n3A_105 {strides = array<i32>} : memref<16xi32, #tpu.memory_space<vmem>>, vector<16xi32>,
      "tpu.region"() ({
        %run_scoped3A = tpu.sem_alloc : memref<!tpu.dma_semaphore, #tpu.memory_space<semaphore_mem>>
        %dma_start3A = arith.constant 0 : i32
        %dma_start3A_107 = tpu.memref_slice %arg4[%add3A, %dma_start3A] : memref<16x16xi32, #tpu.memory_space<hbm>> -> memref<1x16xi32, #tpu.memory_space<hbm>>
        %dma_start3A_108 = tpu.memref_squeeze %dma_start3A_107 : memref<1x16xi32, #tpu.memory_space<hbm>> -> memref<16xi32, #tpu.memory_space<hbm>>
        %dma_start3A_109 = arith.constant 0 : i32
        %dma_start3A_110 = tpu.memref_slice %arg4[%add3A, %dma_start3A_109] : memref<16x16xi32, #tpu.memory_space<hbm>> -> memref<1x16xi32, #tpu.memory_space<hbm>>
        %dma_start3A_111 = tpu.memref_squeeze %dma_start3A_110 : memref<1x16xi32, #tpu.memory_space<hbm>> -> memref<16xi32, #tpu.memory_space<hbm>>
        tpu.enqueue_dma source(%arg8 : memref<16xi32, #tpu.memory_space<vmem>>) target(%dma_start3A_111 : memref<16xi32, #tpu.memory_space<hbm>>) target_semaphore(%run_scoped3A : memref<!tpu.dma_semaphore, #tpu.memory_space<semaphore_mem>>)
        %dma_wait3A = arith.constant 0 : i32
        %dma_wait3A_112 = tpu.memref_slice %arg4[%add3A, %dma_wait3A] : memref<16x16xi32, #tpu.memory_space<hbm>> -> memref<1x16xi32, #tpu.memory_space<hbm>>
        %dma_wait3A_113 = tpu.memref_squeeze %dma_wait3A_112 : memref<1x16xi32, #tpu.memory_space<hbm>> -> memref<16xi32, #tpu.memory_space<hbm>>
        %dma_wait3A_114 = arith.constant 0 : i32
        %dma_wait3A_115 = tpu.memref_slice %arg4[%add3A, %dma_wait3A_114] : memref<16x16xi32, #tpu.memory_space<hbm>> -> memref<1x16xi32, #tpu.memory_space<hbm>>
        %dma_wait3A_116 = tpu.memref_squeeze %dma_wait3A_115 : memref<1x16xi32, #tpu.memory_space<hbm>> -> memref<16xi32, #tpu.memory_space<hbm>>
        tpu.wait_dma2 semaphore(%run_scoped3A : memref<!tpu.dma_semaphore, #tpu.memory_space<semaphore_mem>>) src(%arg8 : memref<16xi32, #tpu.memory_space<vmem>>) dst(%dma_wait3A_116 : memref<16xi32, #tpu.memory_space<hbm>>)
        tpu.yield
      }) : () -> ()
    } else {
    }
    return
  }
}

module attributes {stable_mosaic.version = 14 : i64} {
  func.func @_shift_body(%arg0: i32, %arg1: i32, %arg2: memref<16x16xi32, #tpu.memory_space<smem>>, %arg3: memref<1x512x768xf32, #tpu.memory_space<vmem>>, %arg4: memref<1x512x768xf32, #tpu.memory_space<vmem>>, %arg5: memref<512x768xf32, #tpu.memory_space<vmem>>) attributes {dimension_semantics = [#tpu.dimension_semantics<arbitrary>, #tpu.dimension_semantics<arbitrary>], iteration_bounds = array<i64: 16, 5>, scalar_prefetch = 1 : i64, scratch_operands = 1 : i64, tpu.core_type = #tpu.core_type<tc>, window_params = [{transform_indices = @transform_0, window_bounds = array<i64: 1, 512, 768>}, {transform_indices = @transform_1, window_bounds = array<i64: 1, 512, 768>}]} {
    %gt3A = arith.constant 0 : i32
    %gt3A_0 = arith.cmpi sgt, %arg1, %gt3A : i32
    %convert_element_type3A = arith.extui %gt3A_0 : i1 to i32
    %cond3A = arith.constant 0 : i32
    %cond3A_1 = arith.cmpi ne, %convert_element_type3A, %cond3A : i32
    scf.if %cond3A_1 {
      %get3A_8 = arith.index_cast %arg0 : i32 to index
      %get3A_9 = arith.constant 0 : index
      %get3A_10 = memref.load %arg2[%get3A_8, %get3A_9] : memref<16x16xi32, #tpu.memory_space<smem>>
      %get3A_11 = arith.index_cast %arg0 : i32 to index
      %get3A_12 = arith.constant 1 : index
      %get3A_13 = memref.load %arg2[%get3A_11, %get3A_12] : memref<16x16xi32, #tpu.memory_space<smem>>
      %rem3A = arith.constant 512 : i32
      %rem3A_14 = arith.remsi %get3A_10, %rem3A : i32
      %sub3A = arith.constant 1 : i32
      %sub3A_15 = arith.subi %arg1, %sub3A : i32
      %mul3A = arith.constant 512 : i32
      %mul3A_16 = arith.muli %sub3A_15, %mul3A : i32
      %sub3A_17 = arith.subi %get3A_13, %mul3A_16 : i32
      %jit3A = arith.constant 0 : i32
      %jit3A_18 = arith.constant 512 : i32
      %max3A = arith.maxsi %jit3A, %sub3A_17 : i32
      %min3A = arith.minsi %jit3A_18, %max3A : i32
      %get3A_19 = arith.constant 0 : index
      %get3A_20 = arith.constant 0 : index
      %get3A_21 = vector.load %arg5[%get3A_19, %get3A_20] : memref<512x768xf32, #tpu.memory_space<vmem>>, vector<512x768xf32>
      %get3A_22 = arith.constant 0 : index
      %get3A_23 = arith.constant 0 : index
      %get3A_24 = arith.constant 0 : index
      %get3A_25 = vector.load %arg3[%get3A_22, %get3A_23, %get3A_24] : memref<1x512x768xf32, #tpu.memory_space<vmem>>, vector<1x512x768xf32>
      %get3A_26 = vector.shape_cast %get3A_25 : vector<1x512x768xf32> to vector<512x768xf32>
      %iota3A = tpu.iota {dimensions = array<i32: 0>} : vector<512x1xi32>
      %sub3A_27 = vector.broadcast %rem3A_14 : i32 to vector<512x1xi32>
      %sub3A_28 = arith.subi %iota3A, %sub3A_27 : vector<512x1xi32>
      %lt3A = vector.broadcast %rem3A_14 : i32 to vector<512x1xi32>
      %lt3A_29 = arith.cmpi slt, %iota3A, %lt3A : vector<512x1xi32>
      %jit3A_30 = arith.constant 512 : i32
      %jit3A_31 = arith.constant 0 : i32
      %broadcast_in_dim3A = vector.broadcast %jit3A_30 : i32 to vector<512x1xi32>
      %broadcast_in_dim3A_32 = vector.broadcast %jit3A_31 : i32 to vector<512x1xi32>
      %select_n3A = arith.select %lt3A_29, %broadcast_in_dim3A, %broadcast_in_dim3A_32 : vector<512x1xi1>, vector<512x1xi32>
      %add3A = arith.addi %sub3A_28, %select_n3A : vector<512x1xi32>
      %lt3A_33 = vector.broadcast %rem3A_14 : i32 to vector<512x1xi32>
      %lt3A_34 = arith.cmpi slt, %iota3A, %lt3A_33 : vector<512x1xi32>
      %broadcast_in_dim3A_35 = vector.shape_cast %lt3A_34 : vector<512x1xi1> to vector<512x1xi1>
      %broadcast_in_dim3A_36 = vector.broadcast %broadcast_in_dim3A_35 : vector<512x1xi1> to vector<512x768xi1>
      %select_n3A_37 = arith.select %broadcast_in_dim3A_36, %get3A_26, %get3A_21 : vector<512x768xi1>, vector<512x768xf32>
      %lt3A_38 = vector.broadcast %min3A : i32 to vector<512x1xi32>
      %lt3A_39 = arith.cmpi slt, %add3A, %lt3A_38 : vector<512x1xi32>
      %jit3A_40 = arith.constant 0.000000e+00 : f32
      %broadcast_in_dim3A_41 = vector.shape_cast %lt3A_39 : vector<512x1xi1> to vector<512x1xi1>
      %broadcast_in_dim3A_42 = vector.broadcast %broadcast_in_dim3A_41 : vector<512x1xi1> to vector<512x768xi1>
      %broadcast_in_dim3A_43 = vector.broadcast %jit3A_40 : f32 to vector<512x768xf32>
      %select_n3A_44 = arith.select %broadcast_in_dim3A_42, %select_n3A_37, %broadcast_in_dim3A_43 : vector<512x768xi1>, vector<512x768xf32>
      %sub3A_45 = arith.constant 512 : i32
      %sub3A_46 = arith.subi %sub3A_45, %rem3A_14 : i32
      %rem3A_47 = arith.constant 512 : i32
      %rem3A_48 = arith.remsi %sub3A_46, %rem3A_47 : i32
      %roll3A = tpu.dynamic_rotate %select_n3A_44 by %rem3A_48 dim 0 : vector<512x768xf32>, i32 -> vector<512x768xf32>
      %swap3A_49 = arith.constant 0 : index
      %swap3A_50 = arith.constant 0 : index
      %swap3A_51 = arith.constant 0 : index
      %swap3A_52 = vector.load %arg4[%swap3A_49, %swap3A_50, %swap3A_51] : memref<1x512x768xf32, #tpu.memory_space<vmem>>, vector<1x512x768xf32>
      %swap3A_53 = vector.shape_cast %swap3A_52 : vector<1x512x768xf32> to vector<512x768xf32>
      %swap3A_54 = vector.shape_cast %roll3A : vector<512x768xf32> to vector<1x512x768xf32>
      tpu.vector_store %arg4[%swap3A_49, %swap3A_50, %swap3A_51], %swap3A_54 {strides = array<i32>} : memref<1x512x768xf32, #tpu.memory_space<vmem>>, vector<1x512x768xf32>,
    } else {
    }
    %get3A = arith.constant 0 : index
    %get3A_2 = arith.constant 0 : index
    %get3A_3 = arith.constant 0 : index
    %get3A_4 = vector.load %arg3[%get3A, %get3A_2, %get3A_3] : memref<1x512x768xf32, #tpu.memory_space<vmem>>, vector<1x512x768xf32>
    %get3A_5 = vector.shape_cast %get3A_4 : vector<1x512x768xf32> to vector<512x768xf32>
    %swap3A = arith.constant 0 : index
    %swap3A_6 = arith.constant 0 : index
    %swap3A_7 = vector.load %arg5[%swap3A, %swap3A_6] : memref<512x768xf32, #tpu.memory_space<vmem>>, vector<512x768xf32>
    tpu.vector_store %arg5[%swap3A, %swap3A_6], %get3A_5 {strides = array<i32>} : memref<512x768xf32, #tpu.memory_space<vmem>>, vector<512x768xf32>,
    return
  }
  func.func @transform_0(%arg0: i32, %arg1: i32, %arg2: memref<16x16xi32, #tpu.memory_space<smem>>) -> (i32, i32, i32) {
    %get3A = arith.index_cast %arg0 : i32 to index
    %get3A_0 = arith.constant 0 : index
    %get3A_1 = memref.load %arg2[%get3A, %get3A_0] : memref<16x16xi32, #tpu.memory_space<smem>>
    %get3A_2 = arith.index_cast %arg0 : i32 to index
    %get3A_3 = arith.constant 1 : index
    %get3A_4 = memref.load %arg2[%get3A_2, %get3A_3] : memref<16x16xi32, #tpu.memory_space<smem>>
    %jit3A = arith.constant 512 : i32
    %div3A = arith.divsi %get3A_1, %jit3A : i32
    %sign3A = arith.constant 0 : i32
    %sign3A_5 = arith.cmpi sgt, %get3A_1, %sign3A : i32
    %sign3A_6 = arith.extui %sign3A_5 : i1 to i32
    %sign3A_7 = arith.constant 0 : i32
    %sign3A_8 = arith.cmpi slt, %get3A_1, %sign3A_7 : i32
    %sign3A_9 = arith.extui %sign3A_8 : i1 to i32
    %sign3A_10 = arith.subi %sign3A_6, %sign3A_9 : i32
    %sign3A_11 = arith.constant 0 : i32
    %sign3A_12 = arith.cmpi sgt, %jit3A, %sign3A_11 : i32
    %sign3A_13 = arith.extui %sign3A_12 : i1 to i32
    %sign3A_14 = arith.constant 0 : i32
    %sign3A_15 = arith.cmpi slt, %jit3A, %sign3A_14 : i32
    %sign3A_16 = arith.extui %sign3A_15 : i1 to i32
    %sign3A_17 = arith.subi %sign3A_13, %sign3A_16 : i32
    %ne3A = arith.cmpi ne, %sign3A_10, %sign3A_17 : i32
    %rem3A = arith.remsi %get3A_1, %jit3A : i32
    %ne3A_18 = arith.constant 0 : i32
    %ne3A_19 = arith.cmpi ne, %rem3A, %ne3A_18 : i32
    %and3A = arith.andi %ne3A, %ne3A_19 : i1
    %sub3A = arith.constant 1 : i32
    %sub3A_20 = arith.subi %div3A, %sub3A : i32
    %select_n3A = arith.select %and3A, %sub3A_20, %div3A : i32
    %rem3A_21 = arith.constant 512 : i32
    %rem3A_22 = arith.remsi %get3A_1, %rem3A_21 : i32
    %add3A = arith.addi %rem3A_22, %get3A_4 : i32
    %sub3A_23 = arith.constant 1 : i32
    %sub3A_24 = arith.subi %add3A, %sub3A_23 : i32
    %jit3A_25 = arith.constant 512 : i32
    %div3A_26 = arith.divsi %sub3A_24, %jit3A_25 : i32
    %sign3A_27 = arith.constant 0 : i32
    %sign3A_28 = arith.cmpi sgt, %sub3A_24, %sign3A_27 : i32
    %sign3A_29 = arith.extui %sign3A_28 : i1 to i32
    %sign3A_30 = arith.constant 0 : i32
    %sign3A_31 = arith.cmpi slt, %sub3A_24, %sign3A_30 : i32
    %sign3A_32 = arith.extui %sign3A_31 : i1 to i32
    %sign3A_33 = arith.subi %sign3A_29, %sign3A_32 : i32
    %sign3A_34 = arith.constant 0 : i32
    %sign3A_35 = arith.cmpi sgt, %jit3A_25, %sign3A_34 : i32
    %sign3A_36 = arith.extui %sign3A_35 : i1 to i32
    %sign3A_37 = arith.constant 0 : i32
    %sign3A_38 = arith.cmpi slt, %jit3A_25, %sign3A_37 : i32
    %sign3A_39 = arith.extui %sign3A_38 : i1 to i32
    %sign3A_40 = arith.subi %sign3A_36, %sign3A_39 : i32
    %ne3A_41 = arith.cmpi ne, %sign3A_33, %sign3A_40 : i32
    %rem3A_42 = arith.remsi %sub3A_24, %jit3A_25 : i32
    %ne3A_43 = arith.constant 0 : i32
    %ne3A_44 = arith.cmpi ne, %rem3A_42, %ne3A_43 : i32
    %and3A_45 = arith.andi %ne3A_41, %ne3A_44 : i1
    %sub3A_46 = arith.constant 1 : i32
    %sub3A_47 = arith.subi %div3A_26, %sub3A_46 : i32
    %select_n3A_48 = arith.select %and3A_45, %sub3A_47, %div3A_26 : i32
    %max3A = arith.constant 0 : i32
    %max3A_49 = arith.maxsi %select_n3A_48, %max3A : i32
    %min3A = arith.minsi %arg1, %max3A_49 : i32
    %add3A_50 = arith.addi %select_n3A, %min3A : i32
    %min3A_51 = arith.constant 3 : i32
    %min3A_52 = arith.minsi %add3A_50, %min3A_51 : i32
    %c0_i32 = arith.constant 0 : i32
    %c0_i32_53 = arith.constant 0 : i32
    return %arg0, %min3A_52, %c0_i32 : i32, i32, i32
  }
  func.func @transform_1(%arg0: i32, %arg1: i32, %arg2: memref<16x16xi32, #tpu.memory_space<smem>>) -> (i32, i32, i32) {
    %sub3A = arith.constant 1 : i32
    %sub3A_0 = arith.subi %arg1, %sub3A : i32
    %max3A = arith.constant 0 : i32
    %max3A_1 = arith.maxsi %sub3A_0, %max3A : i32
    %c0_i32 = arith.constant 0 : i32
    %c0_i32_2 = arith.constant 0 : i32
    return %arg0, %max3A_1, %c0_i32 : i32, i32, i32
  }
}

</mosaic_0001>

<sc_bundles>
// kernel: kernel.4.cloned.1.call-start
scs
__scs_entry_jumppad:
0x0: {  	(pc) =	sbr.rel $0x88, $3  }
0x1: {  	(tag) =	ssettag $0x0;
	lr =	simm.s32 $0x1  }
0x2: {  	[smem:$0x3F9E] =	sst lr;
	_ =	strace $0xD0000000  }
0x3: {  	_ = 	snop  }
0x4: {  	_ = 	snop  }
0x5: {  	_ = 	snop  }
0x6: {  	_ = 	snop  }
0x7: {  	_ = 	snop  }
__scs_overlays_trampoline_lowered:
0x8: {  	[smem:$0x3FAD] =	sst s0  }
0x9: {  	[smem:$0x3FAE] =	sst s1  }
0xa: {  	[smem:$0x3FAF] =	sst s2  }
0xb: {  	[smem:$0x3FB0] =	sst s3  }
0xc: {  	[smem:$0x3FB1] =	sst s4  }
0xd: {  	[smem:$0x3FB2] =	sst s5  }
0xe: {  	[smem:$0x3FB3] =	sst s6  }
0xf: {  	[smem:$0x3FB4] =	sst s7  }
0x10: {  	[smem:$0x3FB5] =	sst s8  }
0x11: {  	[smem:$0x3FB6] =	sst s9;
	s0 =	simm.s32 @!p0 $0x0  }
0x12: {  	s1 =	sld [smem:$0x3F9C];
	s0 =	simm.s32 @p0 $0x1  }
0x13: {  	[smem:$0x3FB7] =	sst s0;
	s0 =	simm.s32 @!p1 $0x0  }
0x14: {  	s2 =	sld [smem:$0x3F9B];
	s0 =	simm.s32 @p1 $0x1  }
0x15: {  	[smem:$0x3FB8] =	sst s0;
	s0 =	simm.s32 @!p2 $0x0  }
0x16: {  	s3 =	sld [smem:$0x3FDB];
	s0 =	simm.s32 @p2 $0x1  }
0x17: {  	s4 =	simm.s32 $0x1BF5;
	[smem:$0x3FBA] =	sst s0  }
0x18: {  	s0 =	sld [smem:$0x3F9D];
	_ =	swait.ge [sflag:s4], $0x0  }
0x19: {  	s7 =	sld [smem:$0x3F9E]  }
0x1a: {  	s8 =	sadd.s32 $0xFFFFE003, lr  }
0x1b: {  	s9 =	sadd.s32 $0xFFFFFEF7, lr;
	s5 =	simm.s32 $0xFFFFFFFF;
	p2 =	slt.u32 s8, $0xFFFFF086  }
0x1c: {  	p1 =	slt.u32 s9, $0xF7A;
	s5 =	simm.s32 @!p2 $0x0  }
0x1d: {  	s5 =	simm.s32 @p1 $0x1;
	p0 =	seq.s32 s7, s2  }
0x1e: {  	s7 =	smul.u32 @!p0 $0xF7A, s2;
	p2 =	seq.s32 @!p0 s5, $0x0  }
0x1f: {  	s9 =	smul.u32 $0xF7A, s1;
	s8 =	simm.s32 @!p0 $0x1BF5;
	p2 =	por !p2, p0  }
0x20: {  	[sflag:s8] =	ssyncset.s32 @!p0 $0xFFFFF086;
	s6 =	sadd.s32 @!p0 s3, s7;
	s7 =	simm.s32 @!p0 $0x108  }
0x21: {  	s3 =	sadd.s32 s3, s9;
	s6 =	sadd.s32 @!p0 $0x88, s6;
	s7 =	simm.s32 @p2 $0x1082  }
0x22: {  	[simem:s7], [sflag:s8] =	dma.local @!p0 [hbm:s6], $0xF7A  }
0x23: {  	s9 =	sor.u32 $0xD0000000, s2;
	s6 =	simm.s32 $0x108;
	_ =	swait.ge @!p0 [sflag:s8], $0x0  }
0x24: {  	s3 =	sadd.s32 $0x88, s3;
	s6 =	simm.s32 @!p1 $0x1082;
	[sflag:s4] =	ssyncset.s32 $0xFFFFF086  }
0x25: {  	[simem:s6], [sflag:s4] =	dma.local [hbm:s3], $0xF7A  }
0x26: {  	[smem:$0x3F9E] =	sst s1;
	(tag) =	ssettag s2;
	_ =	strace s9  }
0x27: {  	s1 =	sld [smem:$0x3FAE]  }
0x28: {  	s2 =	sld [smem:$0x3FAF]  }
0x29: {  	s4 =	sld [smem:$0x3FB1]  }
0x2a: {  	p0 =	seq.s32 s5, $0x0;
	s5 =	sld [smem:$0x3FB2]  }
0x2b: {  	s6 =	sld [smem:$0x3FB3]  }
0x2c: {  	s7 =	sld [smem:$0x3FB4]  }
0x2d: {  	s3 =	simm.s32 $0x108;
	s8 =	sld [smem:$0x3FB5]  }
0x2e: {  	s3 =	simm.s32 @!p0 $0x1082;
	s9 =	sld [smem:$0x3FB6]  }
0x2f: {  	lr =	sadd.s32 s0, s3;
	s0 =	sld [smem:$0x3FAD]  }
0x30: {  	s3 =	sld [smem:$0x3FB0]  }
0x31: {  	[smem:$0x3FB9] =	sst s10  }
0x32: {  	s10 =	sld [smem:$0x3FB7];
	_ =	sdelay $0x3  }
0x33: {  	p0 =	seq.s32 s10, $0x1;
	s10 =	sld [smem:$0x3FB9];
	_ =	sdelay $0x3  }
0x34: {  	[smem:$0x3FB9] =	sst s10  }
0x35: {  	s10 =	sld [smem:$0x3FB8];
	_ =	sdelay $0x3  }
0x36: {  	p1 =	seq.s32 s10, $0x1;
	s10 =	sld [smem:$0x3FB9];
	_ =	sdelay $0x3  }
0x37: {  	[smem:$0x3FB9] =	sst s10  }
0x38: {  	s10 =	sld [smem:$0x3FBA]  }
0x39: {  	_ = 	snop;
	(pc) =	sbr.ind lr, $3  }
0x3a: {  	_ = 	snop  }
0x3b: {  	_ = 	snop  }
0x3c: {  	p2 =	seq.s32 s10, $0x1;
	s10 =	sld [smem:$0x3FB9]  }
0x3d: {  	_ =	shalt  }
0x3e: {  	_ =	shalt  }
0x3f: {  	_ =	shalt  }
0x40: {  	_ =	shalt  }
0x41: {  	_ =	shalt  }
0x42: {  	_ =	shalt  }
0x43: {  	_ =	shalt  }
0x44: {  	_ =	shalt  }
0x45: {  	_ =	shalt  }
0x46: {  	_ =	shalt  }
0x47: {  	_ =	shalt  }
0x48: {  	_ =	shalt  }
0x49: {  	_ =	shalt  }
0x4a: {  	_ =	shalt  }
0x4b: {  	_ =	shalt  }
0x4c: {  	_ =	shalt  }
0x4d: {  	_ =	shalt  }
0x4e: {  	_ =	shalt  }
0x4f: {  	_ =	shalt  }
0x50: {  	_ =	shalt  }
0x51: {  	_ =	shalt  }
0x52: {  	_ =	shalt  }
0x53: {  	_ =	shalt  }
0x54: {  	_ =	shalt  }
0x55: {  	_ =	shalt  }
0x56: {  	_ =	shalt  }
0x57: {  	_ =	shalt  }
0x58: {  	_ =	shalt  }
0x59: {  	_ =	shalt  }
0x5a: {  	_ =	shalt  }
0x5b: {  	_ =	shalt  }
0x5c: {  	_ =	shalt  }
0x5d: {  	_ =	shalt  }
0x5e: {  	_ =	shalt  }
0x5f: {  	_ =	shalt  }
0x60: {  	_ =	shalt  }
0x61: {  	_ =	shalt  }
0x62: {  	_ =	shalt  }
0x63: {  	_ =	shalt  }
0x64: {  	_ =	shalt  }
0x65: {  	_ =	shalt  }
0x66: {  	_ =	shalt  }
0x67: {  	_ =	shalt  }
0x68: {  	_ =	shalt  }
0x69: {  	_ =	shalt  }
0x6a: {  	_ =	shalt  }
0x6b: {  	_ =	shalt  }
0x6c: {  	_ =	shalt  }
0x6d: {  	_ =	shalt  }
0x6e: {  	_ =	shalt  }
0x6f: {  	_ =	shalt  }
0x70: {  	_ =	shalt  }
0x71: {  	_ =	shalt  }
0x72: {  	_ =	shalt  }
0x73: {  	_ =	shalt  }
0x74: {  	_ =	shalt  }
0x75: {  	_ =	shalt  }
0x76: {  	_ =	shalt  }
0x77: {  	_ =	shalt  }
0x78: {  	_ =	shalt  }
0x79: {  	_ =	shalt  }
0x7a: {  	_ =	shalt  }
0x7b: {  	_ =	shalt  }
0x7c: {  	_ =	shalt  }
0x7d: {  	_ =	shalt  }
0x7e: {  	_ =	shalt  }
0x7f: {  	_ =	shalt  }
0x80: {  	_ =	shalt  }
0x81: {  	_ =	shalt  }
0x82: {  	_ =	shalt  }
0x83: {  	_ =	shalt  }
0x84: {  	_ =	shalt  }
0x85: {  	_ =	shalt  }
0x86: {  	_ =	shalt  }
0x87: {  	_ =	shalt  }
.Lfunc_end0:
.L_simem_size_0:
called_computation_lowered:
.L_overlay_start_0:
0x88: {  	s2 =	sld [smem:$0x3FD9]  }
0x89: {  	s3 =	sld [smem:$0x3FFE];
	_ =	sdelay $0x1  }
0x8a: {  	s1 =	srdreg.scid  }
0x8b: {  	s0 =	sand.u32 $0x1, s1  }
0x8c: {  	s17 =	sshll.u32 s0, $0xA;
	s2 =	sadd.s32 s3, s2  }
0x8d: {  	s2 =	sadd.s32 s2, s17  }
0x8e: {  	[smem:$0x3FC5] =	sst s2  }
0x8f: {  	_ = 	snop  }
0x90: {  	s2 =	sld [smem:$0x3FD0];
	(tm) =	ssettm $0x1  }
0x91: {  	s18 =	sld [smem:$0x3FFB];
	_ =	sdelay $0x3  }
0x92: {  	_ =	strace s18  }
0x93: {  	s3 =	sld [smem:$0x3FFC];
	_ =	sdelay $0x3  }
0x94: {  	_ =	strace s3  }
0x95: {  	s3 =	sld [smem:$0x3FFD];
	_ =	sdelay $0x3  }
0x96: {  	_ =	strace s3  }
0x97: {  	_ =	strace $0x8FFFFFFF  }
0x98: {  	s19 =	sld [smem:$0x3FDB];
	_ =	sdelay $0x1  }
0x99: {  	s4 =	simm.s32 $_scs_section_size  }
0x9a: {  	s5 =	simm.s32 $_size__tile_overlayer_lowered;
	s6 =	simm.s32 $_tile_overlayer_lowered  }
0x9b: {  	s22 =	simm.s32 $0x1BFF;
	s21 =	sshll.u32 s6, $0x1;
	s3 =	sadd.s32 s4, s19  }
0x9c: {  	s7 =	simm.s32 $0x0;
	s20 =	sshll.u32 s5, $0x1;
	s5 =	sadd.s32 s21, s3  }
0x9d: {  	[timem:s7], [sflag:s22] =	dma.local [hbm:s5], s20  }
0x9e: {  	_ =	swait.ge [sflag:s22], s20  }
0x9f: {  	s4 =	ssub.s32 $0x0, s20;
	[sflag:s22] =	ssyncset.done $0x0  }
0xa0: {  	[sflag:s22] =	ssyncadd.s32 s4;
	_ =	sdelay $0x1  }
0xa1: {  	s23 =	simm.s32 $0x1B8B  }
0xa2: {  	_ =	swait.ge [sflag:s23], $0x1  }
0xa3: {  	[sflag:s23] =	ssyncset.done $0x0  }
0xa4: {  	s25 =	simm.s32 $0x1B8E;
	s24 =	sld [smem:$0x3FFE];
	[sflag:s23] =	ssyncadd.s32 $0xFFFFFFFF  }
0xa5: {  	s26 =	simm.s32 $execute0_lowered;
	[smem:$0x3FD2] =	sst s25  }
0xa6: {  	s5 =	sshll.u32 s26, $0x1;
	_ =	strace $0x80000046;
	[dreg:$0x1] =	wrdreg $0xFFFFFFFF  }
0xa7: {  	s28 =	simm.s32 $_size_execute0_lowered;
	s3 =	sadd.s32 s3, s5;
	[dreg:$0x0] =	wrdreg $0x0  }
0xa8: {  	s5 =	sshll.u32 s28, $0x1;
	[dreg:$0x2] =	wrdreg s3  }
0xa9: {  	[dreg:$0x3] =	wrdreg s5  }
0xaa: {  	[dreg:$0x4] =	wrdreg $0xC0  }
0xab: {  	_ =	task [dreg:s7], $0x5FFFF  }
0xac: {  	[dreg:$0x1] =	wrdreg $0xFFFFFFFF  }
0xad: {  	[dreg:$0x0] =	wrdreg $0x60  }
0xae: {  	[dreg:$0x2] =	wrdreg s24  }
0xaf: {  	[dreg:$0x3] =	wrdreg s2  }
0xb0: {  	[dreg:$0x4] =	wrdreg $0x9  }
0xb1: {  	_ =	task.clear_ibuf [dreg:s7], $0x5FFFF;
	_ =	strace $0x90000046  }
0xb2: {  	s29 =	simm.s32 $0x9;
	_ =	strace $0x80000048  }
0xb3: {  	_ =	swait.ge [sflag:s29], $0x1  }
0xb4: {  	[sflag:s29] =	ssyncadd.s32 $0xFFFFFFFF  }
0xb5: {  	_ =	strace $0x90000048  }
0xb6: {  	_ =	sfence  }
0xb7: {  	s30 =	sld [smem:$0x0];
	_ =	sdelay $0x2  }
0xb8: {  	s31 =	sshll.u32 s1, $0xD;
	s1 =	sshrl.u32 s1, $0x2  }
0xb9: {  	s3 =	sand.u32 $0x4000, s31;
	s1 =	sadd.s32 s1, s30  }
0xba: {  	s0 =	sor.u32 s3, s0;
	s1 =	sshll.u32 s1, $0x11  }
0xbb: {  	s0 =	sor.u32 s1, s0  }
0xbc: {  	s0 =	sadd.s32 $0x8F2B, s0  }
0xbd: {  	[sflag:s0] =	ssyncadd.remote.s32 $0x1  }
0xbe: {  	_ =	sfence.sel $0xFFFF  }
0xbf: {  	[dreg:$0x0] =	wrdreg $0xFFFFFFFF;
	(pc) =	sbr.abs _section_cstart, $3  }
0xc0: {  	[dreg:$0x1] =	wrdreg $0xFFFFFFFF  }
0xc1: {  	_ =	task.clear_ibuf [dreg:s7], $0x2FFFF;
	_ =	strace $0x9FFFFFFF  }
0xc2: {  	(tm) =	ssettm $0x7FFFFFFF  }
0xc3: {  	_ =	shalt  }
tec
execute0_lowered:
.L_overlay_start_1:
0x0: {  	(tag) =	ssettag $0x1  }
0x1: {  	s1 =	srdreg.scid  }
0x2: {  	s1 =	sand.u32 $0x1, s1  }
0x3: {  	p0 =	seq.s32 s1, $0x1  }
.Ltmp0:
0x4: {  	_ = 	snop;
	(pc) =	sbr.rel @p0 .LBB2_4-.Ltmp0, $4  }
0x5: {  	s2 =	rddreg [dreg:$0x0]  }
0x6: {  	s4 =	rddreg [dreg:$0x1];
	s3 =	simm.s32 $0x0  }
0x7: {  	[smem:$0x7FF] =	sst s3  }
0x8: {  	s0 =	rddreg [dreg:$0x2];
	_ =	strace $0x80000047;
	s1 =	stileid.u32  }
0x9: {  	s5 =	sshll.u32 s1, $0x8  }
0xa: {  	s28 =	simm.s32 $0x1;
	s4 =	sadd.s32 s4, s5  }
0xb: {  	[tilespmem:s3], [sflag:$0x1] =	stream.linear.gather [hbm4b:s4+s3], $0x800, $0x38;
	[tilespmem:$0x1050] =	vst v63  }
0xc: {  	_ =	swait.ge [sflag:s28], $0x800  }
0xd: {  	s29 =	sadd.s32 $0x400, s2;
	s6 =	sshll.u32 s1, $0x3;
	[sflag:s28] =	ssyncset.done $0x0  }
0xe: {  	s30 =	simm.s32 $0x800;
	s5 =	sadd.s32 s29, s6;
	[sflag:s28] =	ssyncadd.s32 $0xFFFFF800  }
0xf: {  	[tilespmem:s30], [sflag:$0x1] =	stream.linear.gather [hbm4b:s5+s3], $0x40, $0x38;
	[tilespmem:$0x1050] =	vst v63  }
0x10: {  	_ =	swait.ge [sflag:s28], $0x40  }
0x11: {  	[sflag:s28] =	ssyncset.done $0x0  }
0x12: {  	s6 =	simm.s32 $0x0;
	[sflag:s28] =	ssyncadd.s32 $0xFFFFFFC0  }
0x13: {  	v1 =	vld [tilespmem:s6+$0x0]  }
0x14: {  	s3 =	simm.s32 $0x10  }
0x15: {  	s4 =	simm.s32 $0x20;
	v2 =	vld [tilespmem:s3+$0x0]  }
0x16: {  	v4 =	vld [tilespmem:s4+$0x0];
	_ =	sdelay $0x1  }
0x17: {  	(xrf2) =	vadd.scan.msk.f32 $0xffff, v1;
	_ =	sdelay $0x1  }
0x18: {  	(xrf2) =	vadd.scan.msk.f32 $0xffff, v2  }
0x19: {  	(xrf2) =	vadd.scan.msk.f32 $0xffff, v4;
	_ =	sdelay $0x6  }
0x1a: {  	v3, _, _ =	vpop (xrf2)  }
0x1b: {  	(v2sf) =	vpush v3, $0xF  }
0x1c: {  	s5 =	simm.s32 $0x30;
	v1 =	vsub.f32 v3, v1;
	v3, _, _ =	vpop (xrf2)  }
0x1d: {  	v0 =	vld [tilespmem:s5+$0x0];
	(v2sf) =	vpush v3, $0xF;
	v5, _, _ =	vpop (xrf2)  }
0x1e: {  	(v2sf) =	vpush v5, $0xF;
	_ =	sdelay $0x2  }
0x1f: {  	s7 =	sshll.u32 s1, $0x1  }
0x20: {  	s31 =	sadd.s32 s7, s2;
	s7 =	simm.s32 $0x40;
	(xrf2) =	vadd.scan.msk.f32 $0xffff, v0  }
0x21: {  	v2 =	vsub.f32 v3, v2;
	v3 =	vld [tilespmem:s7+$0x0];
	_ =	sdelay $0x3  }
0x22: {  	s8 =	simm.f32 $0.0e+00;
	s9 =	simm.s32 $0x140;
	s2 =	sadd.s32 $0x600, s31;
	v4 =	vsub.f32 v5, v4  }
.LBB2_2:
0x23: {  	s10 =	sshra.s32 s9, $0x2;
	p0 =	sne.s32 s9, $0x1FC0;
	s9 =	sadd.s32 $0x40, s9;
	(xrf2) =	vadd.scan.msk.f32 $0xffff, v3;
	v5 =	vadd.f32 s8, v1;
	v6 =	vmov v3;
	v1 =	vmov v2  }
.Ltmp1:
0x24: {  	v3 =	vld [tilespmem:s10+$0x0];
	v2 =	vmov v4;
	(pc) =	sbr.rel @p0 .LBB2_2-.Ltmp1, $4  }
0x25: {  	[tilespmem:s6+$0x840] =	vst v5;
	s11 =	spop (v2sf);
	s6 =	smov.u32 s3;
	s3 =	smov.u32 s4  }
0x26: {  	s4 =	smov.u32 s5;
	s5 =	smov.u32 s7;
	s8 =	sadd.f32 s11, s8  }
0x27: {  	s7 =	smov.u32 s10;
	v5, _, _ =	vpop (xrf2)  }
0x28: {  	v4 =	vsub.f32 v5, v0;
	(v2sf) =	vpush v5, $0xF;
	v0 =	vmov v6  }
0x29: {  	_ =	sdelay $0x3  }
0x2a: {  	v5, _, _ =	vpop (xrf2)  }
0x2b: {  	(v2sf) =	vpush v5, $0xF;
	_ =	sdelay $0x4  }
0x2c: {  	(xrf2) =	vadd.scan.msk.f32 $0xffff, v3;
	_ =	sdelay $0x3  }
0x2d: {  	s9 =	spop (v2sf)  }
0x2e: {  	s9 =	sadd.f32 s9, s8  }
0x2f: {  	s10 =	spop (v2sf)  }
0x30: {  	s10 =	sadd.f32 s10, s9  }
0x31: {  	v6 =	vlaneseq.u32;
	s11 =	spop (v2sf)  }
0x32: {  	v1 =	vadd.f32 s8, v1;
	v6 =	vmul.u32 $0x2, v6;
	s16 =	sadd.f32 s11, s10  }
0x33: {  	v2 =	vadd.f32 s9, v2;
	v0 =	vsub.f32 v5, v0;
	v44, _, _ =	vpop (xrf2);
	s17 =	spop (v2sf)  }
0x34: {  	[tilespmem:s6+$0x840] =	vst v1;
	v47 =	vor.u32 $0x1, v6;
	v45 =	vadd.f32 s10, v4;
	v46 =	vsub.f32 v44, v3;
	s18 =	sadd.f32 s17, s16  }
0x35: {  	[tilespmem:s3+$0x840] =	vst v2;
	v0 =	vadd.f32 s16, v0  }
0x36: {  	[tilespmem:s4+$0x840] =	vst v45;
	v48 =	vadd.f32 s18, v46  }
0x37: {  	[tilespmem:s5+$0x840] =	vst v0  }
0x38: {  	s19 =	simm.s32 $0x800;
	[tilespmem:s7+$0x840] =	vst v48  }
0x39: {  	v0 =	vld.idx.msk [tilespmem:v47+s19+$0x0], $0xffff  }
0x3a: {  	v1 =	vld.idx.msk [tilespmem:v6+s19+$0x0], $0xffff;
	_ =	sdelay $0x5  }
0x3b: {  	s20 =	simm.s32 $0x840  }
0x3c: {  	v0 =	vld.idx.msk [tilespmem:v0+s20+$0x0], $0xffff  }
0x3d: {  	v50 =	vor.u32 $0x20, v6;
	v1 =	vld.idx.msk [tilespmem:v1+s20+$0x0], $0xffff  }
0x3e: {  	v49 =	vor.u32 $0x21, v6;
	_ =	sdelay $0x3  }
0x3f: {  	v52 =	vld.idx.msk [tilespmem:v50+s19+$0x0], $0xffff;
	v0 =	vsub.f32 v0, v1  }
0x40: {  	v51 =	vld.idx.msk [tilespmem:v49+s19+$0x0], $0xffff  }
0x41: {  	(xrf0) =	vmax.scan.msk.f32 $0xffff, v0;
	_ =	sdelay $0x5  }
0x42: {  	v2 =	vld.idx.msk [tilespmem:v52+s20+$0x0], $0xffff;
	v53, _, _ =	vpop (xrf0)  }
0x43: {  	v1 =	vld.idx.msk [tilespmem:v51+s20+$0x0], $0xffff;
	v54 =	vbroadcast v53, $0xF;
	_ =	sdelay $0x1  }
0x44: {  	vm0 =	veq.f32 v0, v54  }
0x45: {  	v0 =	vmctz.xlane vm0;
	_ =	sdelay $0x1  }
0x46: {  	v1 =	vsub.f32 v1, v2;
	v0 =	vxor.u32 $0x80000000, v0  }
0x47: {  	(xrf0) =	vmin.scan.msk.u32 $0xffff, v0  }
0x48: {  	(xrf0) =	vmax.scan.msk.f32 $0xffff, v1;
	_ =	sdelay $0x4  }
0x49: {  	v0, _, _ =	vpop (xrf0)  }
0x4a: {  	v55, _, _ =	vpop (xrf0)  }
0x4b: {  	v56 =	vbroadcast v55, $0xF;
	_ =	sdelay $0x1  }
0x4c: {  	vm13 =	veq.f32 v1, v56  }
0x4d: {  	v1 =	vmctz.xlane vm13;
	_ =	sdelay $0x1  }
0x4e: {  	v1 =	vxor.u32 $0x80000000, v1  }
0x4f: {  	(xrf0) =	vmin.scan.msk.u32 $0xffff, v1;
	_ =	sdelay $0x2  }
0x50: {  	(v2sf) =	vpush v44, $0xF  }
0x51: {  	(v2sf) =	vpush v53, $0xF  }
0x52: {  	(v2sf) =	vpush v0, $0xF  }
0x53: {  	(v2sf) =	vpush v55, $0xF;
	v57, _, _ =	vpop (xrf0)  }
0x54: {  	(v2sf) =	vpush v57, $0xF;
	_ =	sdelay $0xa  }
0x55: {  	s21 =	spop (v2sf)  }
0x56: {  	s4 =	spop (v2sf)  }
0x57: {  	s5 =	spop (v2sf)  }
0x58: {  	s22 =	spop (v2sf)  }
0x59: {  	p0 =	sge.f32 s4, s22;
	s23 =	spop (v2sf)  }
0x5a: {  	s7 =	sadd.s32 $0x10, s23  }
0x5b: {  	s7 =	smov.u32 @p0 s5  }
0x5c: {  	s5 =	sshll.u32 s7, $0x1  }
0x5d: {  	v58 =	vmov s5  }
0x5e: {  	v0 =	vbroadcast v58, $0x0  }
0x5f: {  	s24 =	sshllo.u32 s7, $0x1  }
0x60: {  	v59 =	vmov s24;
	_ =	sdelay $0x3  }
0x61: {  	v0 =	vld.idx.msk [tilespmem:v0+s19+$0x0], $0xffff  }
0x62: {  	v1 =	vld.idx.msk [tilespmem:v59+s19+$0x0], $0xffff;
	_ =	sdelay $0x3  }
0x63: {  	v0 =	vxor.u32 $0x80000000, v0  }
0x64: {  	v60 =	vxor.u32 $0x80000000, v1;
	(xrf0) =	vmax.scan.msk.u32 $0xffff, v0  }
0x65: {  	(xrf0) =	vmax.scan.msk.u32 $0xffff, v60;
	_ =	sdelay $0x4  }
0x66: {  	v61, _, _ =	vpop (xrf0)  }
0x67: {  	(v2sf) =	vpush v61, $0xF;
	v62, _, _ =	vpop (xrf0)  }
0x68: {  	(v2sf) =	vpush v62, $0xF;
	_ =	sdelay $0xc  }
0x69: {  	s25 =	smax.f32 s4, s22  }
0x6a: {  	p0 =	sgt.f32 s25, $0.0e+00;
	s26 =	spop (v2sf)  }
0x6b: {  	s3 =	sxor.u32 $0x80000000, s26;
	s28 =	spop (v2sf)  }
0x6c: {  	s3 =	simm.s32 @!p0 $0x0;
	s4 =	sxor.u32 $0x80000000, s28  }
0x6d: {  	vm14 =	vcmask $0x300;
	s4 =	simm.s32 @!p0 $0x0;
	v63 =	vmov s3  }
0x6e: {  	vm15 =	vcmask $0x704;
	s3 =	ssub.s32 s4, s3;
	v0 =	vnsel vm14, $0x0, v63  }
0x6f: {  	v0 =	vsel vm15, s3, v0  }
0x70: {  	s29 =	simm.s32 $0x0;
	s30 =	simm.s32 $0x1040;
	s31 =	simm.s32 $0x1;
	[tilespmem:$0x1040] =	vst v0  }
0x71: {  	[hbm4b:s2+s29] =	stream.linear.scatter [tilespmem:s30], [sflag:$0x1], $0x10, $0x38;
	[tilespmem:$0x1050] =	vst v63  }
0x72: {  	_ =	swait.ge [sflag:s31], $0x10  }
0x73: {  	[sflag:s31] =	ssyncset.done $0x0  }
0x74: {  	[sflag:s31] =	ssyncadd.s32 $0xFFFFFFF0  }
.LBB2_4:
0x75: {  	_ =	sfence.sel $0x180000  }
0x76: {  	[bflag:$0x0] =	sbarrier.arrive $0xFFFF  }
0x77: {  	p0 =	sne.s32 s1, $0x0;
	_ =	strace $0x90000047  }
0x78: {  	s0 =	sadd.s32 @!p0 $0x100000, s0;
	[bflag:$0x2] =	sbarrier.arrive $0xFFFF  }
0x79: {  	[sflag:s0] =	ssyncadd.tile.s32 @!p0 $0x1;
	_ =	shalt  }
.Lfunc_end2:
_tile_overlayer_lowered:
.L_overlay_start_2:
0x7a: {  	(tag) =	ssettag $0x2  }
0x7b: {  	s0 =	rddreg [dreg:$0x0];
	s2 =	stileid.u32  }
0x7c: {  	s1 =	rddreg [dreg:$0x1];
	p0 =	sne.s32 s2, $0x0  }
0x7d: {  	s3 =	rddreg [dreg:$0x2];
	[bflag:$0x3] =	sbarrier.arrive $0xFFFF;
	s2 =	simm.s32 @!p0 $0x1C01  }
0x7e: {  	[timem:s3], [sflag:s2] =	dma.local @!p0 [hbm:s0], s1  }
0x7f: {  	s0 =	simm.s32 @!p0 $0x1  }
0x80: {  	_ =	swait.ge @!p0 [sflag:s0], s1  }
0x81: {  	s1 =	ssub.s32 @!p0 $0x0, s1;
	[sflag:s0] =	ssyncset.done @!p0 $0x0  }
0x82: {  	[sflag:s0] =	ssyncadd.s32 @!p0 s1  }
0x83: {  	[bflag:$0x3] =	sbarrier.arrive $0xFFFF  }
0x84: {  	_ =	shalt  }

</sc_bundles>
